<compile_context>
chip_gen: v7x
topology: tpu7x:2x2x1
jax: 0.10.2.dev20260603
libtpu: 0.0.44.dev20260713+nightly
codegen_flags: <defaults>
</compile_context>

<pallas_src>
import functools

import jax
import jax.numpy as jnp
from jax import lax
from jax.experimental import pallas as pl
from jax.experimental.pallas import tpu as pltpu
from jax.experimental.pallas import tpu_sc as plsc

B = 4096
F = 26
V = 100001
E = 32
D = 13
H1 = 128
H2 = 128

NC = 2
NS = 16
NW = NC * NS
ROWS = B * F
R_PER_W = ROWS // NW
CHUNK = 256

VCHUNK = 8192
NVC = 13
V4 = VCHUNK // 4
V4P = NVC * V4
NPK = F * V4P
LCHUNK = 8
NLC = 98
LROWS = F * NLC * LCHUNK


def _repack_body(x_ref, o_ref):
    x = x_ref[0]
    tr = x.T
    t4 = tr.reshape(V4, 4, E)
    o_ref[...] = jnp.concatenate(
        [t4[:, 0, :], t4[:, 1, :], t4[:, 2, :], t4[:, 3, :]], axis=1)


def _repack(fm_t):
    return pl.pallas_call(
        _repack_body,
        grid=(F, NVC),
        in_specs=[pl.BlockSpec((1, E, VCHUNK), lambda f, c: (f, 0, c))],
        out_specs=pl.BlockSpec((V4, 4 * E), lambda f, c: (f * NVC + c, 0)),
        out_shape=jax.ShapeDtypeStruct((NPK, 4 * E), jnp.float32),
    )(fm_t)


def _linpack_body(x_ref, o_ref):
    x = x_ref[0]
    o_ref[...] = jnp.concatenate(
        [x[:, k * 128:(k + 1) * 128] for k in range(LCHUNK)], axis=0)


def _linpack(lin_t3):
    return pl.pallas_call(
        _linpack_body,
        grid=(F, NLC),
        in_specs=[pl.BlockSpec((1, 1, LCHUNK * 128), lambda f, c: (f, 0, c))],
        out_specs=pl.BlockSpec((LCHUNK, 128), lambda f, c: (f * NLC + c, 0)),
        out_shape=jax.ShapeDtypeStruct((LROWS, 128), jnp.float32),
    )(lin_t3)


def _sc_gather_body(r_hbm, le_hbm, s_hbm, pk_hbm, lpk_hbm,
                    g_out, lv_out,
                    r_v, le_v, s_v, rows4_v, rows_v, lin_v,
                    sem, sem_l):
    wid = lax.axis_index("s") * NC + lax.axis_index("c")
    base = wid * R_PER_W
    pltpu.sync_copy(r_hbm.at[pl.ds(base, R_PER_W)], r_v.at[pl.ds(0, R_PER_W)])
    pltpu.sync_copy(le_hbm.at[pl.ds(base, R_PER_W)], le_v.at[pl.ds(0, R_PER_W)])
    pltpu.sync_copy(s_hbm.at[pl.ds(base, R_PER_W)], s_v.at[pl.ds(0, R_PER_W)])
    cp_l = pltpu.async_copy(lpk_hbm.at[le_v.at[pl.ds(0, R_PER_W)]],
                            lin_v, sem_l)

    n_chunks = R_PER_W // CHUNK

    def do_chunk(c, _):
        off = c * CHUNK
        cp = pltpu.async_copy(
            pk_hbm.at[r_v.at[pl.ds(off, CHUNK)]], rows4_v, sem)
        cp.wait()

        def sel(i, _):
            j32 = s_v[pl.ds(off + i, 16)][0]
            rows_v[i, pl.ds(0, 16)] = rows4_v[i, pl.ds(j32, 16)]
            rows_v[i, pl.ds(16, 16)] = rows4_v[i, pl.ds(j32 + 16, 16)]
            return 0
        lax.fori_loop(0, CHUNK, sel, 0, unroll=2)
        pltpu.sync_copy(rows_v, g_out.at[pl.ds(base + off, CHUNK)])
        return 0
    lax.fori_loop(0, n_chunks, do_chunk, 0)

    cp_l.wait()
    pltpu.sync_copy(lin_v, lv_out.at[pl.ds(base, R_PER_W)])


@jax.jit
def _sc_gather(r_flat, le_flat, s_flat, pk, lpk_flat):
    mesh = plsc.VectorSubcoreMesh(
        core_axis_name="c", subcore_axis_name="s",
        num_cores=NC, num_subcores=NS)
    return pl.kernel(
        _sc_gather_body,
        out_type=(
            jax.ShapeDtypeStruct((ROWS, E), jnp.float32),
            jax.ShapeDtypeStruct((ROWS,), jnp.float32),
        ),
        mesh=mesh,
        scratch_types=[
            pltpu.VMEM((R_PER_W + 16,), jnp.int32),
            pltpu.VMEM((R_PER_W + 16,), jnp.int32),
            pltpu.VMEM((R_PER_W + 16,), jnp.int32),
            pltpu.VMEM((CHUNK, 4 * E), jnp.float32),
            pltpu.VMEM((CHUNK, E), jnp.float32),
            pltpu.VMEM((R_PER_W,), jnp.float32),
            pltpu.SemaphoreType.DMA,
            pltpu.SemaphoreType.DMA,
        ],
    )(r_flat, le_flat, s_flat, pk, lpk_flat)


def _tc_body(g_ref, lv_ref, d_ref, w1a_ref, w1b_ref, b1_ref,
             w2_ref, b2_ref, w3_ref, b3_ref, s_ref, out_ref):
    g = g_ref[...]
    sum_v = jnp.dot(g, s_ref[...], preferred_element_type=jnp.float32)
    sq_of_sum = jnp.sum(sum_v * sum_v, axis=1, keepdims=True)
    sum_of_sq = jnp.sum(g * g, axis=1, keepdims=True)
    fm = 0.5 * (sq_of_sum - sum_of_sq)
    lin = jnp.sum(lv_ref[...], axis=1, keepdims=True)
    h = jnp.dot(g, w1a_ref[...], preferred_element_type=jnp.float32)
    h = h + jnp.dot(d_ref[...], w1b_ref[...], preferred_element_type=jnp.float32)
    h = jnp.maximum(h + b1_ref[...], 0.0)
    h = jnp.dot(h, w2_ref[...], preferred_element_type=jnp.float32)
    h = jnp.maximum(h + b2_ref[...], 0.0)
    dp = jnp.sum(h * w3_ref[...], axis=1, keepdims=True)
    out_ref[...] = jax.nn.sigmoid(dp + b3_ref[0, 0] + fm + lin)


def _tc_deepfm(g, lv, dense, w1a, w1b, b1, w2, b2, w3r, b3, smat, bs):
    grid = (B // bs,)
    full = lambda shape: pl.BlockSpec(shape, lambda i: (0, 0))
    return pl.pallas_call(
        _tc_body,
        grid=grid,
        in_specs=[
            pl.BlockSpec((bs, F * E), lambda i: (i, 0)),
            pl.BlockSpec((bs, F), lambda i: (i, 0)),
            pl.BlockSpec((bs, D), lambda i: (i, 0)),
            full((F * E, H1)),
            full((D, H1)),
            full((1, H1)),
            full((H1, H2)),
            full((1, H2)),
            full((1, H2)),
            full((1, 1)),
            full((F * E, E)),
        ],
        out_specs=pl.BlockSpec((bs, 1), lambda i: (i, 0)),
        out_shape=jax.ShapeDtypeStruct((B, 1), jnp.float32),
    )(g, lv, dense, w1a, w1b, b1, w2, b2, w3r, b3, smat)


def kernel(sparse_indices, dense, fm_tables, lin_tables, W1, b1, W2, b2, W3, b3):
    idx = sparse_indices.astype(jnp.int32)
    f_base = (jnp.arange(F, dtype=jnp.int32) * V4P)[None, :]
    r_flat = (f_base + (idx // 4)).reshape(ROWS)
    s_flat = ((idx % 4) * E).reshape(ROWS)
    lf_base = (jnp.arange(F, dtype=jnp.int32) * (NLC * LCHUNK * 128))[None, :]
    le_flat = (lf_base + idx).reshape(ROWS)

    fm_t = fm_tables.transpose(0, 2, 1)
    pk = _repack(fm_t)
    lpk = _linpack(lin_tables.reshape(F, 1, V))

    g_rows, lin_rows = _sc_gather(r_flat, le_flat, s_flat, pk,
                                  lpk.reshape(LROWS * 128))
    g = g_rows.reshape(B, F * E)
    lv = lin_rows.reshape(B, F)

    w1a = W1[:F * E]
    w1b = W1[F * E:]
    smat = jnp.tile(jnp.eye(E, dtype=jnp.float32), (F, 1))
    return _tc_deepfm(
        g, lv, dense,
        w1a, w1b, b1.reshape(1, H1),
        W2, b2.reshape(1, H2),
        W3.reshape(1, H2), b3.reshape(1, 1),
        smat, bs=512)

# --- scband reference (transcript-rebuilt; emitter-appended) ---
"""Pipeline reference for scband-deep-fm-23493471109649 (READ-ONLY COPY).

The authoritative reference and input builder live on the scoring server;
editing this copy changes nothing except your own understanding.
"""

import jax, jax.numpy as jnp
import numpy as np

B = 4096
F = 26
V = 100001  # feature_size + 1
E = 32
D = 13
DNN = (128, 128)


def setup_inputs(seed: int = 0) -> dict:
    key = jax.random.key(seed)
    ks = jax.random.split(key, 10)
    sparse_indices = jax.random.randint(ks[0], (B, F), 0, 100000)
    dense = jax.random.normal(ks[1], (B, D), dtype=jnp.float32)
    fm_tables = jax.random.normal(ks[2], (F, V, E), dtype=jnp.float32) * 0.01
    lin_tables = jax.random.normal(ks[3], (F, V, 1), dtype=jnp.float32) * 0.01
    d_in = F * E + D
    W1 = jax.random.normal(ks[4], (d_in, DNN[0]), dtype=jnp.float32) / np.sqrt(d_in)
    b1 = jnp.zeros((DNN[0],), dtype=jnp.float32)
    W2 = jax.random.normal(ks[5], (DNN[0], DNN[1]), dtype=jnp.float32) / np.sqrt(DNN[0])
    b2 = jnp.zeros((DNN[1],), dtype=jnp.float32)
    W3 = jax.random.normal(ks[6], (DNN[1], 1), dtype=jnp.float32) / np.sqrt(DNN[1])
    b3 = jnp.zeros((1,), dtype=jnp.float32)
    return {
        'sparse_indices': sparse_indices,
        'dense': dense,
        'fm_tables': fm_tables,
        'lin_tables': lin_tables,
        'W1': W1, 'b1': b1, 'W2': W2, 'b2': b2, 'W3': W3, 'b3': b3,
    }


def reference(sparse_indices, dense, fm_tables, lin_tables, W1, b1, W2, b2, W3, b3):
    f_idx = jnp.arange(F)
    # per-field embedding gather: [B, F, E] and [B, F, 1]
    fm_inputs = fm_tables[f_idx[None, :], sparse_indices]
    linear_inputs = lin_tables[f_idx[None, :], sparse_indices]
    # FM second-order term: 0.5 * sum_e ((sum_f v)^2 - sum_f v^2)
    sum_v = jnp.sum(fm_inputs, axis=1)
    square_of_sum = sum_v * sum_v
    sum_of_square = jnp.sum(fm_inputs * fm_inputs, axis=1)
    fm_prediction = 0.5 * jnp.sum(square_of_sum - sum_of_square, axis=-1, keepdims=True)
    # linear (first-order) term: reduce over field axis
    linear_prediction = jnp.sum(linear_inputs, axis=-2)
    # deep part: concat flattened sparse embeddings with dense features
    deep_in = jnp.concatenate([fm_inputs.reshape(fm_inputs.shape[0], F * E), dense], axis=-1)
    h = jax.nn.relu(deep_in @ W1 + b1)
    h = jax.nn.relu(h @ W2 + b2)  # dropout disabled (inference)
    deep_prediction = h @ W3 + b3
    output = jax.nn.sigmoid(deep_prediction + fm_prediction + linear_prediction)
    return output

if __name__ == "__main__":
    import jax
    _d = setup_inputs()
    print(jax.jit(kernel)(*tuple(_d.values())))

</pallas_src>

<mosaic_0001>
#map = affine_map<(d0, d1) -> (0)>
#map1 = affine_map<(d0, d1) -> (0, 0)>
module attributes {stable_mosaic.version = 14 : i64} {
  func.func @_sc_gather_body(%arg0: i32, %arg1: i32, %arg2: memref<106496xi32, #tpu.memory_space<hbm>>, %arg3: memref<106496xi32, #tpu.memory_space<hbm>>, %arg4: memref<106496xi32, #tpu.memory_space<hbm>>, %arg5: memref<692224x128xf32, #tpu.memory_space<hbm>>, %arg6: memref<2609152xf32, #tpu.memory_space<hbm>>, %arg7: memref<106496x32xf32, #tpu.memory_space<hbm>>, %arg8: memref<106496xf32, #tpu.memory_space<hbm>>, %arg9: memref<3344xi32, #tpu.memory_space<vmem>>, %arg10: memref<3344xi32, #tpu.memory_space<vmem>>, %arg11: memref<3344xi32, #tpu.memory_space<vmem>>, %arg12: memref<256x128xf32, #tpu.memory_space<vmem>>, %arg13: memref<256x32xf32, #tpu.memory_space<vmem>>, %arg14: memref<3328xf32, #tpu.memory_space<vmem>>, %arg15: memref<!tpu.dma_semaphore, #tpu.memory_space<semaphore_mem>>, %arg16: memref<!tpu.dma_semaphore, #tpu.memory_space<semaphore_mem>>) attributes {dimension_semantics = [#tpu.dimension_semantics<core_parallel>, #tpu.dimension_semantics<subcore_parallel>], iteration_bounds = array<i64: 2, 16>, scalar_prefetch = 0 : i64, scratch_operands = 8 : i64, tpu.core_type = #tpu.core_type<sc_vector_subcore>, window_params = [{transform_indices = #map}, {transform_indices = #map}, {transform_indices = #map}, {transform_indices = #map1}, {transform_indices = #map}, {transform_indices = #map1}, {transform_indices = #map}]} {
    %mul3A = arith.constant 2 : i32
    %mul3A_0 = arith.muli %arg1, %mul3A : i32
    %add3A = arith.addi %mul3A_0, %arg0 : i32
    %mul3A_1 = arith.constant 3328 : i32
    %mul3A_2 = arith.muli %add3A, %mul3A_1 : i32
    "tpu.region"() ({
      %run_scoped3A = tpu.sem_alloc : memref<!tpu.dma_semaphore, #tpu.memory_space<semaphore_mem>>
      %dma_start3A_15 = arith.constant 0 : i32
      %dma_start3A_16 = tpu.memref_slice %arg9[%dma_start3A_15] : memref<3344xi32, #tpu.memory_space<vmem>> -> memref<3328xi32, #tpu.memory_space<vmem>>
      %dma_start3A_17 = tpu.memref_slice %arg2[%mul3A_2] : memref<106496xi32, #tpu.memory_space<hbm>> -> memref<3328xi32, #tpu.memory_space<hbm>>
      %dma_start3A_18 = arith.constant 0 : i32
      %dma_start3A_19 = tpu.memref_slice %arg9[%dma_start3A_18] : memref<3344xi32, #tpu.memory_space<vmem>> -> memref<3328xi32, #tpu.memory_space<vmem>>
      %dma_start3A_20 = tpu.memref_slice %arg2[%mul3A_2] : memref<106496xi32, #tpu.memory_space<hbm>> -> memref<3328xi32, #tpu.memory_space<hbm>>
      tpu.enqueue_dma source(%dma_start3A_20 : memref<3328xi32, #tpu.memory_space<hbm>>) target(%dma_start3A_19 : memref<3328xi32, #tpu.memory_space<vmem>>) target_semaphore(%run_scoped3A : memref<!tpu.dma_semaphore, #tpu.memory_space<semaphore_mem>>)
      %dma_wait3A_21 = arith.constant 0 : i32
      %dma_wait3A_22 = tpu.memref_slice %arg9[%dma_wait3A_21] : memref<3344xi32, #tpu.memory_space<vmem>> -> memref<3328xi32, #tpu.memory_space<vmem>>
      %dma_wait3A_23 = tpu.memref_slice %arg2[%mul3A_2] : memref<106496xi32, #tpu.memory_space<hbm>> -> memref<3328xi32, #tpu.memory_space<hbm>>
      %dma_wait3A_24 = arith.constant 0 : i32
      %dma_wait3A_25 = tpu.memref_slice %arg9[%dma_wait3A_24] : memref<3344xi32, #tpu.memory_space<vmem>> -> memref<3328xi32, #tpu.memory_space<vmem>>
      %dma_wait3A_26 = tpu.memref_slice %arg2[%mul3A_2] : memref<106496xi32, #tpu.memory_space<hbm>> -> memref<3328xi32, #tpu.memory_space<hbm>>
      tpu.wait_dma2 semaphore(%run_scoped3A : memref<!tpu.dma_semaphore, #tpu.memory_space<semaphore_mem>>) src(%dma_wait3A_26 : memref<3328xi32, #tpu.memory_space<hbm>>) dst(%dma_wait3A_25 : memref<3328xi32, #tpu.memory_space<vmem>>)
      tpu.yield
    }) : () -> ()
    "tpu.region"() ({
      %run_scoped3A = tpu.sem_alloc : memref<!tpu.dma_semaphore, #tpu.memory_space<semaphore_mem>>
      %dma_start3A_15 = arith.constant 0 : i32
      %dma_start3A_16 = tpu.memref_slice %arg10[%dma_start3A_15] : memref<3344xi32, #tpu.memory_space<vmem>> -> memref<3328xi32, #tpu.memory_space<vmem>>
      %dma_start3A_17 = tpu.memref_slice %arg3[%mul3A_2] : memref<106496xi32, #tpu.memory_space<hbm>> -> memref<3328xi32, #tpu.memory_space<hbm>>
      %dma_start3A_18 = arith.constant 0 : i32
      %dma_start3A_19 = tpu.memref_slice %arg10[%dma_start3A_18] : memref<3344xi32, #tpu.memory_space<vmem>> -> memref<3328xi32, #tpu.memory_space<vmem>>
      %dma_start3A_20 = tpu.memref_slice %arg3[%mul3A_2] : memref<106496xi32, #tpu.memory_space<hbm>> -> memref<3328xi32, #tpu.memory_space<hbm>>
      tpu.enqueue_dma source(%dma_start3A_20 : memref<3328xi32, #tpu.memory_space<hbm>>) target(%dma_start3A_19 : memref<3328xi32, #tpu.memory_space<vmem>>) target_semaphore(%run_scoped3A : memref<!tpu.dma_semaphore, #tpu.memory_space<semaphore_mem>>)
      %dma_wait3A_21 = arith.constant 0 : i32
      %dma_wait3A_22 = tpu.memref_slice %arg10[%dma_wait3A_21] : memref<3344xi32, #tpu.memory_space<vmem>> -> memref<3328xi32, #tpu.memory_space<vmem>>
      %dma_wait3A_23 = tpu.memref_slice %arg3[%mul3A_2] : memref<106496xi32, #tpu.memory_space<hbm>> -> memref<3328xi32, #tpu.memory_space<hbm>>
      %dma_wait3A_24 = arith.constant 0 : i32
      %dma_wait3A_25 = tpu.memref_slice %arg10[%dma_wait3A_24] : memref<3344xi32, #tpu.memory_space<vmem>> -> memref<3328xi32, #tpu.memory_space<vmem>>
      %dma_wait3A_26 = tpu.memref_slice %arg3[%mul3A_2] : memref<106496xi32, #tpu.memory_space<hbm>> -> memref<3328xi32, #tpu.memory_space<hbm>>
      tpu.wait_dma2 semaphore(%run_scoped3A : memref<!tpu.dma_semaphore, #tpu.memory_space<semaphore_mem>>) src(%dma_wait3A_26 : memref<3328xi32, #tpu.memory_space<hbm>>) dst(%dma_wait3A_25 : memref<3328xi32, #tpu.memory_space<vmem>>)
      tpu.yield
    }) : () -> ()
    "tpu.region"() ({
      %run_scoped3A = tpu.sem_alloc : memref<!tpu.dma_semaphore, #tpu.memory_space<semaphore_mem>>
      %dma_start3A_15 = arith.constant 0 : i32
      %dma_start3A_16 = tpu.memref_slice %arg11[%dma_start3A_15] : memref<3344xi32, #tpu.memory_space<vmem>> -> memref<3328xi32, #tpu.memory_space<vmem>>
      %dma_start3A_17 = tpu.memref_slice %arg4[%mul3A_2] : memref<106496xi32, #tpu.memory_space<hbm>> -> memref<3328xi32, #tpu.memory_space<hbm>>
      %dma_start3A_18 = arith.constant 0 : i32
      %dma_start3A_19 = tpu.memref_slice %arg11[%dma_start3A_18] : memref<3344xi32, #tpu.memory_space<vmem>> -> memref<3328xi32, #tpu.memory_space<vmem>>
      %dma_start3A_20 = tpu.memref_slice %arg4[%mul3A_2] : memref<106496xi32, #tpu.memory_space<hbm>> -> memref<3328xi32, #tpu.memory_space<hbm>>
      tpu.enqueue_dma source(%dma_start3A_20 : memref<3328xi32, #tpu.memory_space<hbm>>) target(%dma_start3A_19 : memref<3328xi32, #tpu.memory_space<vmem>>) target_semaphore(%run_scoped3A : memref<!tpu.dma_semaphore, #tpu.memory_space<semaphore_mem>>)
      %dma_wait3A_21 = arith.constant 0 : i32
      %dma_wait3A_22 = tpu.memref_slice %arg11[%dma_wait3A_21] : memref<3344xi32, #tpu.memory_space<vmem>> -> memref<3328xi32, #tpu.memory_space<vmem>>
      %dma_wait3A_23 = tpu.memref_slice %arg4[%mul3A_2] : memref<106496xi32, #tpu.memory_space<hbm>> -> memref<3328xi32, #tpu.memory_space<hbm>>
      %dma_wait3A_24 = arith.constant 0 : i32
      %dma_wait3A_25 = tpu.memref_slice %arg11[%dma_wait3A_24] : memref<3344xi32, #tpu.memory_space<vmem>> -> memref<3328xi32, #tpu.memory_space<vmem>>
      %dma_wait3A_26 = tpu.memref_slice %arg4[%mul3A_2] : memref<106496xi32, #tpu.memory_space<hbm>> -> memref<3328xi32, #tpu.memory_space<hbm>>
      tpu.wait_dma2 semaphore(%run_scoped3A : memref<!tpu.dma_semaphore, #tpu.memory_space<semaphore_mem>>) src(%dma_wait3A_26 : memref<3328xi32, #tpu.memory_space<hbm>>) dst(%dma_wait3A_25 : memref<3328xi32, #tpu.memory_space<vmem>>)
      tpu.yield
    }) : () -> ()
    %dma_start3A = arith.constant 0 : i32
    %dma_start3A_3 = tpu.memref_slice %arg10[%dma_start3A] : memref<3344xi32, #tpu.memory_space<vmem>> -> memref<3328xi32, #tpu.memory_space<vmem>>
    %dma_start3A_4 = arith.constant 0 : i32
    %dma_start3A_5 = tpu.memref_slice %arg6[%dma_start3A_4] : memref<2609152xf32, #tpu.memory_space<hbm>> -> memref<2609152xf32, #tpu.memory_space<hbm>>
    tpu.enqueue_indirect_dma source(%dma_start3A_5 : memref<2609152xf32, #tpu.memory_space<hbm>>) target(%arg14 : memref<3328xf32, #tpu.memory_space<vmem>>) offsets(%dma_start3A_3 : memref<3328xi32, #tpu.memory_space<vmem>>) semaphore(%arg16 : memref<!tpu.dma_semaphore, #tpu.memory_space<semaphore_mem>>)
    %scan3A = arith.constant 0 : i32
    %scan3A_6 = arith.constant 0 : i32
    %scan3A_7 = arith.constant 13 : i32
    %scan3A_8 = arith.addi %scan3A_6, %scan3A_7 : i32
    %scan3A_9 = arith.constant 1 : i32
    %scan3A_10 = scf.for %scan3A_15 = %scan3A_6 to %scan3A_8 step %scan3A_9 iter_args(%scan3A_16 = %scan3A) -> (i32)  : i32 {
      %mul3A_17 = arith.constant 256 : i32
      %mul3A_18 = arith.muli %scan3A_15, %mul3A_17 : i32
      %dma_start3A_19 = tpu.memref_slice %arg9[%mul3A_18] : memref<3344xi32, #tpu.memory_space<vmem>> -> memref<256xi32, #tpu.memory_space<vmem>>
      %dma_start3A_20 = arith.constant 0 : i32
      %dma_start3A_21 = arith.constant 0 : i32
      %dma_start3A_22 = tpu.memref_slice %arg5[%dma_start3A_20, %dma_start3A_21] : memref<692224x128xf32, #tpu.memory_space<hbm>> -> memref<692224x128xf32, #tpu.memory_space<hbm>>
      tpu.enqueue_indirect_dma source(%dma_start3A_22 : memref<692224x128xf32, #tpu.memory_space<hbm>>) target(%arg12 : memref<256x128xf32, #tpu.memory_space<vmem>>) offsets(%dma_start3A_19 : memref<256xi32, #tpu.memory_space<vmem>>) semaphore(%arg15 : memref<!tpu.dma_semaphore, #tpu.memory_space<semaphore_mem>>)
      %dma_wait3A_23 = tpu.memref_slice %arg9[%mul3A_18] : memref<3344xi32, #tpu.memory_space<vmem>> -> memref<256xi32, #tpu.memory_space<vmem>>
      %dma_wait3A_24 = arith.constant 0 : i32
      %dma_wait3A_25 = arith.constant 0 : i32
      %dma_wait3A_26 = tpu.memref_slice %arg5[%dma_wait3A_24, %dma_wait3A_25] : memref<692224x128xf32, #tpu.memory_space<hbm>> -> memref<692224x128xf32, #tpu.memory_space<hbm>>
      tpu.wait_indirect_dma semaphore(%arg15 : memref<!tpu.dma_semaphore, #tpu.memory_space<semaphore_mem>>) src(%dma_wait3A_26 : memref<692224x128xf32, #tpu.memory_space<hbm>>) dst(%arg12 : memref<256x128xf32, #tpu.memory_space<vmem>>)
      %scan3A_27 = arith.constant 0 : i32
      %scan3A_28 = arith.constant 0 : i32
      %scan3A_29 = arith.constant 256 : i32
      %scan3A_30 = arith.addi %scan3A_28, %scan3A_29 : i32
      %scan3A_31 = arith.constant 2 : i32
      %scan3A_32 = scf.for %scan3A_36 = %scan3A_28 to %scan3A_30 step %scan3A_31 iter_args(%scan3A_37 = %scan3A_27) -> (i32)  : i32 {
        %add3A_38 = arith.addi %mul3A_18, %scan3A_36 : i32
        %get3A = arith.index_cast %add3A_38 : i32 to index
        %get3A_39 = tpu.vector_load %arg11[%get3A] {strides = array<i32>} : memref<3344xi32, #tpu.memory_space<vmem>>, vector<16xi32>,
        %get3A_40 = vector.shape_cast %get3A_39 : vector<16xi32> to vector<16xi32>
        %slice3A = vector.extract_strided_slice %get3A_40 {offsets = [0], sizes = [1], strides = [1]} : vector<16xi32> to vector<1xi32>
        %squeeze3A = vector.extract %slice3A[0] : i32 from vector<1xi32>
        %get3A_41 = arith.index_cast %scan3A_36 : i32 to index
        %get3A_42 = arith.index_cast %squeeze3A : i32 to index
        %get3A_43 = tpu.vector_load %arg12[%get3A_41, %get3A_42] {strides = array<i32>} : memref<256x128xf32, #tpu.memory_space<vmem>>, vector<1x16xf32>,
        %get3A_44 = vector.shape_cast %get3A_43 : vector<1x16xf32> to vector<16xf32>
        %swap3A = arith.index_cast %scan3A_36 : i32 to index
        %swap3A_45 = arith.constant 0 : index
        %swap3A_46 = tpu.vector_load %arg13[%swap3A, %swap3A_45] {strides = array<i32>} : memref<256x32xf32, #tpu.memory_space<vmem>>, vector<1x16xf32>,
        %swap3A_47 = vector.shape_cast %swap3A_46 : vector<1x16xf32> to vector<16xf32>
        %swap3A_48 = vector.shape_cast %get3A_44 : vector<16xf32> to vector<1x16xf32>
        tpu.vector_store %arg13[%swap3A, %swap3A_45], %swap3A_48 {strides = array<i32>} : memref<256x32xf32, #tpu.memory_space<vmem>>, vector<1x16xf32>,
        %add3A_49 = arith.constant 16 : i32
        %add3A_50 = arith.addi %squeeze3A, %add3A_49 : i32
        %get3A_51 = arith.index_cast %scan3A_36 : i32 to index
        %get3A_52 = arith.index_cast %add3A_50 : i32 to index
        %get3A_53 = tpu.vector_load %arg12[%get3A_51, %get3A_52] {strides = array<i32>} : memref<256x128xf32, #tpu.memory_space<vmem>>, vector<1x16xf32>,
        %get3A_54 = vector.shape_cast %get3A_53 : vector<1x16xf32> to vector<16xf32>
        %swap3A_55 = arith.index_cast %scan3A_36 : i32 to index
        %swap3A_56 = arith.constant 16 : index
        %swap3A_57 = tpu.vector_load %arg13[%swap3A_55, %swap3A_56] {strides = array<i32>} : memref<256x32xf32, #tpu.memory_space<vmem>>, vector<1x16xf32>,
        %swap3A_58 = vector.shape_cast %swap3A_57 : vector<1x16xf32> to vector<16xf32>
        %swap3A_59 = vector.shape_cast %get3A_54 : vector<16xf32> to vector<1x16xf32>
        tpu.vector_store %arg13[%swap3A_55, %swap3A_56], %swap3A_59 {strides = array<i32>} : memref<256x32xf32, #tpu.memory_space<vmem>>, vector<1x16xf32>,
        %scan3A_60 = arith.constant 0 : i32
        %scan3A_61 = arith.constant 1 : i32
        %scan3A_62 = arith.addi %scan3A_36, %scan3A_61 : i32
        %add3A_63 = arith.addi %mul3A_18, %scan3A_62 : i32
        %get3A_64 = arith.index_cast %add3A_63 : i32 to index
        %get3A_65 = tpu.vector_load %arg11[%get3A_64] {strides = array<i32>} : memref<3344xi32, #tpu.memory_space<vmem>>, vector<16xi32>,
        %get3A_66 = vector.shape_cast %get3A_65 : vector<16xi32> to vector<16xi32>
        %slice3A_67 = vector.extract_strided_slice %get3A_66 {offsets = [0], sizes = [1], strides = [1]} : vector<16xi32> to vector<1xi32>
        %squeeze3A_68 = vector.extract %slice3A_67[0] : i32 from vector<1xi32>
        %get3A_69 = arith.index_cast %scan3A_62 : i32 to index
        %get3A_70 = arith.index_cast %squeeze3A_68 : i32 to index
        %get3A_71 = tpu.vector_load %arg12[%get3A_69, %get3A_70] {strides = array<i32>} : memref<256x128xf32, #tpu.memory_space<vmem>>, vector<1x16xf32>,
        %get3A_72 = vector.shape_cast %get3A_71 : vector<1x16xf32> to vector<16xf32>
        %swap3A_73 = arith.index_cast %scan3A_62 : i32 to index
        %swap3A_74 = arith.constant 0 : index
        %swap3A_75 = tpu.vector_load %arg13[%swap3A_73, %swap3A_74] {strides = array<i32>} : memref<256x32xf32, #tpu.memory_space<vmem>>, vector<1x16xf32>,
        %swap3A_76 = vector.shape_cast %swap3A_75 : vector<1x16xf32> to vector<16xf32>
        %swap3A_77 = vector.shape_cast %get3A_72 : vector<16xf32> to vector<1x16xf32>
        tpu.vector_store %arg13[%swap3A_73, %swap3A_74], %swap3A_77 {strides = array<i32>} : memref<256x32xf32, #tpu.memory_space<vmem>>, vector<1x16xf32>,
        %add3A_78 = arith.constant 16 : i32
        %add3A_79 = arith.addi %squeeze3A_68, %add3A_78 : i32
        %get3A_80 = arith.index_cast %scan3A_62 : i32 to index
        %get3A_81 = arith.index_cast %add3A_79 : i32 to index
        %get3A_82 = tpu.vector_load %arg12[%get3A_80, %get3A_81] {strides = array<i32>} : memref<256x128xf32, #tpu.memory_space<vmem>>, vector<1x16xf32>,
        %get3A_83 = vector.shape_cast %get3A_82 : vector<1x16xf32> to vector<16xf32>
        %swap3A_84 = arith.index_cast %scan3A_62 : i32 to index
        %swap3A_85 = arith.constant 16 : index
        %swap3A_86 = tpu.vector_load %arg13[%swap3A_84, %swap3A_85] {strides = array<i32>} : memref<256x32xf32, #tpu.memory_space<vmem>>, vector<1x16xf32>,
        %swap3A_87 = vector.shape_cast %swap3A_86 : vector<1x16xf32> to vector<16xf32>
        %swap3A_88 = vector.shape_cast %get3A_83 : vector<16xf32> to vector<1x16xf32>
        tpu.vector_store %arg13[%swap3A_84, %swap3A_85], %swap3A_88 {strides = array<i32>} : memref<256x32xf32, #tpu.memory_space<vmem>>, vector<1x16xf32>,
        %scan3A_89 = arith.constant 0 : i32
        scf.yield %scan3A_89 : i32
      }
      %scan3A_33 = arith.constant 256 : i32
      %add3A_34 = arith.addi %mul3A_2, %mul3A_18 : i32
      "tpu.region"() ({
        %run_scoped3A = tpu.sem_alloc : memref<!tpu.dma_semaphore, #tpu.memory_space<semaphore_mem>>
        %dma_start3A_36 = arith.constant 0 : i32
        %dma_start3A_37 = tpu.memref_slice %arg7[%add3A_34, %dma_start3A_36] : memref<106496x32xf32, #tpu.memory_space<hbm>> -> memref<256x32xf32, #tpu.memory_space<hbm>>
        %dma_start3A_38 = arith.constant 0 : i32
        %dma_start3A_39 = tpu.memref_slice %arg7[%add3A_34, %dma_start3A_38] : memref<106496x32xf32, #tpu.memory_space<hbm>> -> memref<256x32xf32, #tpu.memory_space<hbm>>
        tpu.enqueue_dma source(%arg13 : memref<256x32xf32, #tpu.memory_space<vmem>>) target(%dma_start3A_39 : memref<256x32xf32, #tpu.memory_space<hbm>>) target_semaphore(%run_scoped3A : memref<!tpu.dma_semaphore, #tpu.memory_space<semaphore_mem>>)
        %dma_wait3A_40 = arith.constant 0 : i32
        %dma_wait3A_41 = tpu.memref_slice %arg7[%add3A_34, %dma_wait3A_40] : memref<106496x32xf32, #tpu.memory_space<hbm>> -> memref<256x32xf32, #tpu.memory_space<hbm>>
        %dma_wait3A_42 = arith.constant 0 : i32
        %dma_wait3A_43 = tpu.memref_slice %arg7[%add3A_34, %dma_wait3A_42] : memref<106496x32xf32, #tpu.memory_space<hbm>> -> memref<256x32xf32, #tpu.memory_space<hbm>>
        tpu.wait_dma2 semaphore(%run_scoped3A : memref<!tpu.dma_semaphore, #tpu.memory_space<semaphore_mem>>) src(%arg13 : memref<256x32xf32, #tpu.memory_space<vmem>>) dst(%dma_wait3A_43 : memref<256x32xf32, #tpu.memory_space<hbm>>)
        tpu.yield
      }) : () -> ()
      %scan3A_35 = arith.constant 0 : i32
      scf.yield %scan3A_35 : i32
    }
    %scan3A_11 = arith.constant 13 : i32
    %dma_wait3A = arith.constant 0 : i32
    %dma_wait3A_12 = tpu.memref_slice %arg10[%dma_wait3A] : memref<3344xi32, #tpu.memory_space<vmem>> -> memref<3328xi32, #tpu.memory_space<vmem>>
    %dma_wait3A_13 = arith.constant 0 : i32
    %dma_wait3A_14 = tpu.memref_slice %arg6[%dma_wait3A_13] : memref<2609152xf32, #tpu.memory_space<hbm>> -> memref<2609152xf32, #tpu.memory_space<hbm>>
    tpu.wait_indirect_dma semaphore(%arg16 : memref<!tpu.dma_semaphore, #tpu.memory_space<semaphore_mem>>) src(%dma_wait3A_14 : memref<2609152xf32, #tpu.memory_space<hbm>>) dst(%arg14 : memref<3328xf32, #tpu.memory_space<vmem>>)
    "tpu.region"() ({
      %run_scoped3A = tpu.sem_alloc : memref<!tpu.dma_semaphore, #tpu.memory_space<semaphore_mem>>
      %dma_start3A_15 = tpu.memref_slice %arg8[%mul3A_2] : memref<106496xf32, #tpu.memory_space<hbm>> -> memref<3328xf32, #tpu.memory_space<hbm>>
      %dma_start3A_16 = tpu.memref_slice %arg8[%mul3A_2] : memref<106496xf32, #tpu.memory_space<hbm>> -> memref<3328xf32, #tpu.memory_space<hbm>>
      tpu.enqueue_dma source(%arg14 : memref<3328xf32, #tpu.memory_space<vmem>>) target(%dma_start3A_16 : memref<3328xf32, #tpu.memory_space<hbm>>) target_semaphore(%run_scoped3A : memref<!tpu.dma_semaphore, #tpu.memory_space<semaphore_mem>>)
      %dma_wait3A_17 = tpu.memref_slice %arg8[%mul3A_2] : memref<106496xf32, #tpu.memory_space<hbm>> -> memref<3328xf32, #tpu.memory_space<hbm>>
      %dma_wait3A_18 = tpu.memref_slice %arg8[%mul3A_2] : memref<106496xf32, #tpu.memory_space<hbm>> -> memref<3328xf32, #tpu.memory_space<hbm>>
      tpu.wait_dma2 semaphore(%run_scoped3A : memref<!tpu.dma_semaphore, #tpu.memory_space<semaphore_mem>>) src(%arg14 : memref<3328xf32, #tpu.memory_space<vmem>>) dst(%dma_wait3A_18 : memref<3328xf32, #tpu.memory_space<hbm>>)
      tpu.yield
    }) : () -> ()
    return
  }
}

</mosaic_0001>

<sc_bundles>
// kernel: _sc_gather.3.cloned.1.call-start
scs
__scs_entry_jumppad:
0x0: {  	(pc) =	sbr.rel $0x88, $3  }
0x1: {  	(tag) =	ssettag $0x0;
	lr =	simm.s32 $0x1  }
0x2: {  	[smem:$0x3F9C] =	sst lr;
	_ =	strace $0xD0000000  }
0x3: {  	_ = 	snop  }
0x4: {  	_ = 	snop  }
0x5: {  	_ = 	snop  }
0x6: {  	_ = 	snop  }
0x7: {  	_ = 	snop  }
__scs_overlays_trampoline_lowered:
0x8: {  	[smem:$0x3FAB] =	sst s0  }
0x9: {  	[smem:$0x3FAC] =	sst s1  }
0xa: {  	[smem:$0x3FAD] =	sst s2  }
0xb: {  	[smem:$0x3FAE] =	sst s3  }
0xc: {  	[smem:$0x3FAF] =	sst s4  }
0xd: {  	[smem:$0x3FB0] =	sst s5  }
0xe: {  	[smem:$0x3FB1] =	sst s6  }
0xf: {  	[smem:$0x3FB2] =	sst s7  }
0x10: {  	[smem:$0x3FB3] =	sst s8  }
0x11: {  	[smem:$0x3FB4] =	sst s9;
	s0 =	simm.s32 @!p0 $0x0  }
0x12: {  	s1 =	sld [smem:$0x3F9A];
	s0 =	simm.s32 @p0 $0x1  }
0x13: {  	[smem:$0x3FB5] =	sst s0;
	s0 =	simm.s32 @!p1 $0x0  }
0x14: {  	s2 =	sld [smem:$0x3F99];
	s0 =	simm.s32 @p1 $0x1  }
0x15: {  	[smem:$0x3FB6] =	sst s0;
	s0 =	simm.s32 @!p2 $0x0  }
0x16: {  	s3 =	sld [smem:$0x3FDB];
	s0 =	simm.s32 @p2 $0x1  }
0x17: {  	s4 =	simm.s32 $0x1BF5;
	[smem:$0x3FB8] =	sst s0  }
0x18: {  	s0 =	sld [smem:$0x3F9B];
	_ =	swait.ge [sflag:s4], $0x0  }
0x19: {  	s7 =	sld [smem:$0x3F9C]  }
0x1a: {  	s8 =	sadd.s32 $0xFFFFE003, lr  }
0x1b: {  	s9 =	sadd.s32 $0xFFFFFEF7, lr;
	s5 =	simm.s32 $0xFFFFFFFF;
	p2 =	slt.u32 s8, $0xFFFFF086  }
0x1c: {  	p1 =	slt.u32 s9, $0xF7A;
	s5 =	simm.s32 @!p2 $0x0  }
0x1d: {  	s5 =	simm.s32 @p1 $0x1;
	p0 =	seq.s32 s7, s2  }
0x1e: {  	s7 =	smul.u32 @!p0 $0xF7A, s2;
	p2 =	seq.s32 @!p0 s5, $0x0  }
0x1f: {  	s9 =	smul.u32 $0xF7A, s1;
	s8 =	simm.s32 @!p0 $0x1BF5;
	p2 =	por !p2, p0  }
0x20: {  	[sflag:s8] =	ssyncset.s32 @!p0 $0xFFFFF086;
	s6 =	sadd.s32 @!p0 s3, s7;
	s7 =	simm.s32 @!p0 $0x108  }
0x21: {  	s3 =	sadd.s32 s3, s9;
	s6 =	sadd.s32 @!p0 $0x88, s6;
	s7 =	simm.s32 @p2 $0x1082  }
0x22: {  	[simem:s7], [sflag:s8] =	dma.local @!p0 [hbm:s6], $0xF7A  }
0x23: {  	s9 =	sor.u32 $0xD0000000, s2;
	s6 =	simm.s32 $0x108;
	_ =	swait.ge @!p0 [sflag:s8], $0x0  }
0x24: {  	s3 =	sadd.s32 $0x88, s3;
	s6 =	simm.s32 @!p1 $0x1082;
	[sflag:s4] =	ssyncset.s32 $0xFFFFF086  }
0x25: {  	[simem:s6], [sflag:s4] =	dma.local [hbm:s3], $0xF7A  }
0x26: {  	[smem:$0x3F9C] =	sst s1;
	(tag) =	ssettag s2;
	_ =	strace s9  }
0x27: {  	s1 =	sld [smem:$0x3FAC]  }
0x28: {  	s2 =	sld [smem:$0x3FAD]  }
0x29: {  	s4 =	sld [smem:$0x3FAF]  }
0x2a: {  	p0 =	seq.s32 s5, $0x0;
	s5 =	sld [smem:$0x3FB0]  }
0x2b: {  	s6 =	sld [smem:$0x3FB1]  }
0x2c: {  	s7 =	sld [smem:$0x3FB2]  }
0x2d: {  	s3 =	simm.s32 $0x108;
	s8 =	sld [smem:$0x3FB3]  }
0x2e: {  	s3 =	simm.s32 @!p0 $0x1082;
	s9 =	sld [smem:$0x3FB4]  }
0x2f: {  	lr =	sadd.s32 s0, s3;
	s0 =	sld [smem:$0x3FAB]  }
0x30: {  	s3 =	sld [smem:$0x3FAE]  }
0x31: {  	[smem:$0x3FB7] =	sst s10  }
0x32: {  	s10 =	sld [smem:$0x3FB5];
	_ =	sdelay $0x3  }
0x33: {  	p0 =	seq.s32 s10, $0x1;
	s10 =	sld [smem:$0x3FB7];
	_ =	sdelay $0x3  }
0x34: {  	[smem:$0x3FB7] =	sst s10  }
0x35: {  	s10 =	sld [smem:$0x3FB6];
	_ =	sdelay $0x3  }
0x36: {  	p1 =	seq.s32 s10, $0x1;
	s10 =	sld [smem:$0x3FB7];
	_ =	sdelay $0x3  }
0x37: {  	[smem:$0x3FB7] =	sst s10  }
0x38: {  	s10 =	sld [smem:$0x3FB8]  }
0x39: {  	_ = 	snop;
	(pc) =	sbr.ind lr, $3  }
0x3a: {  	_ = 	snop  }
0x3b: {  	_ = 	snop  }
0x3c: {  	p2 =	seq.s32 s10, $0x1;
	s10 =	sld [smem:$0x3FB7]  }
0x3d: {  	_ =	shalt  }
0x3e: {  	_ =	shalt  }
0x3f: {  	_ =	shalt  }
0x40: {  	_ =	shalt  }
0x41: {  	_ =	shalt  }
0x42: {  	_ =	shalt  }
0x43: {  	_ =	shalt  }
0x44: {  	_ =	shalt  }
0x45: {  	_ =	shalt  }
0x46: {  	_ =	shalt  }
0x47: {  	_ =	shalt  }
0x48: {  	_ =	shalt  }
0x49: {  	_ =	shalt  }
0x4a: {  	_ =	shalt  }
0x4b: {  	_ =	shalt  }
0x4c: {  	_ =	shalt  }
0x4d: {  	_ =	shalt  }
0x4e: {  	_ =	shalt  }
0x4f: {  	_ =	shalt  }
0x50: {  	_ =	shalt  }
0x51: {  	_ =	shalt  }
0x52: {  	_ =	shalt  }
0x53: {  	_ =	shalt  }
0x54: {  	_ =	shalt  }
0x55: {  	_ =	shalt  }
0x56: {  	_ =	shalt  }
0x57: {  	_ =	shalt  }
0x58: {  	_ =	shalt  }
0x59: {  	_ =	shalt  }
0x5a: {  	_ =	shalt  }
0x5b: {  	_ =	shalt  }
0x5c: {  	_ =	shalt  }
0x5d: {  	_ =	shalt  }
0x5e: {  	_ =	shalt  }
0x5f: {  	_ =	shalt  }
0x60: {  	_ =	shalt  }
0x61: {  	_ =	shalt  }
0x62: {  	_ =	shalt  }
0x63: {  	_ =	shalt  }
0x64: {  	_ =	shalt  }
0x65: {  	_ =	shalt  }
0x66: {  	_ =	shalt  }
0x67: {  	_ =	shalt  }
0x68: {  	_ =	shalt  }
0x69: {  	_ =	shalt  }
0x6a: {  	_ =	shalt  }
0x6b: {  	_ =	shalt  }
0x6c: {  	_ =	shalt  }
0x6d: {  	_ =	shalt  }
0x6e: {  	_ =	shalt  }
0x6f: {  	_ =	shalt  }
0x70: {  	_ =	shalt  }
0x71: {  	_ =	shalt  }
0x72: {  	_ =	shalt  }
0x73: {  	_ =	shalt  }
0x74: {  	_ =	shalt  }
0x75: {  	_ =	shalt  }
0x76: {  	_ =	shalt  }
0x77: {  	_ =	shalt  }
0x78: {  	_ =	shalt  }
0x79: {  	_ =	shalt  }
0x7a: {  	_ =	shalt  }
0x7b: {  	_ =	shalt  }
0x7c: {  	_ =	shalt  }
0x7d: {  	_ =	shalt  }
0x7e: {  	_ =	shalt  }
0x7f: {  	_ =	shalt  }
0x80: {  	_ =	shalt  }
0x81: {  	_ =	shalt  }
0x82: {  	_ =	shalt  }
0x83: {  	_ =	shalt  }
0x84: {  	_ =	shalt  }
0x85: {  	_ =	shalt  }
0x86: {  	_ =	shalt  }
0x87: {  	_ =	shalt  }
.Lfunc_end0:
.L_simem_size_0:
called_computation_lowered:
.L_overlay_start_0:
0x88: {  	s2 =	sld [smem:$0x3FD9]  }
0x89: {  	s3 =	sld [smem:$0x3FFE];
	_ =	sdelay $0x1  }
0x8a: {  	s1 =	srdreg.scid  }
0x8b: {  	s0 =	sand.u32 $0x1, s1  }
0x8c: {  	s14 =	sshll.u32 s0, $0xA;
	s2 =	sadd.s32 s3, s2  }
0x8d: {  	s2 =	sadd.s32 s2, s14  }
0x8e: {  	[smem:$0x3FC3] =	sst s2  }
0x8f: {  	_ = 	snop  }
0x90: {  	s2 =	sld [smem:$0x3FC9]  }
0x91: {  	s15 =	sld [smem:$0x3FC8]  }
0x92: {  	s4 =	sld [smem:$0x3FD0]  }
0x93: {  	s5 =	sld [smem:$0x3FC7]  }
0x94: {  	s6 =	sld [smem:$0x3FC6]  }
0x95: {  	s8 =	simm.s32 $0xA;
	s9 =	simm.s32 $0x10;
	s7 =	sld [smem:$0x3FC5]  }
0x96: {  	[smem:s9], [sflag:s8] =	dma.local [hbm:s4], $0x1  }
0x97: {  	_ =	swait.eq [sflag:s8], $0x1  }
0x98: {  	[sflag:s8] =	ssyncset.done $0x0  }
0x99: {  	[sflag:s8] =	ssyncadd.s32 $0xFFFFFFFF  }
0x9a: {  	s16 =	sld [smem:$0x11];
	(tm) =	ssettm $0x1  }
0x9b: {  	s17 =	sld [smem:$0x3FFB];
	_ =	sdelay $0x3  }
0x9c: {  	_ =	strace s17  }
0x9d: {  	s8 =	sld [smem:$0x3FFC];
	_ =	sdelay $0x3  }
0x9e: {  	_ =	strace s8  }
0x9f: {  	s8 =	sld [smem:$0x3FFD];
	_ =	sdelay $0x3  }
0xa0: {  	_ =	strace s8  }
0xa1: {  	_ =	strace $0x8FFFFFFF  }
0xa2: {  	s18 =	sld [smem:$0x3FDB];
	_ =	sdelay $0x1  }
0xa3: {  	s19 =	simm.s32 $_scs_section_size  }
0xa4: {  	s10 =	simm.s32 $_size__tile_overlayer_lowered;
	s11 =	simm.s32 $_tile_overlayer_lowered  }
0xa5: {  	s22 =	simm.s32 $0x1BFF;
	s21 =	sshll.u32 s11, $0x1;
	s8 =	sadd.s32 s19, s18  }
0xa6: {  	s12 =	simm.s32 $0x0;
	s20 =	sshll.u32 s10, $0x1;
	s10 =	sadd.s32 s21, s8  }
0xa7: {  	[timem:s12], [sflag:s22] =	dma.local [hbm:s10], s20  }
0xa8: {  	_ =	swait.ge [sflag:s22], s20  }
0xa9: {  	s9 =	ssub.s32 $0x0, s20;
	[sflag:s22] =	ssyncset.done $0x0  }
0xaa: {  	[sflag:s22] =	ssyncadd.s32 s9;
	_ =	sdelay $0x1  }
0xab: {  	s23 =	simm.s32 $0x1B8B  }
0xac: {  	_ =	swait.ge [sflag:s23], $0x1  }
0xad: {  	[sflag:s23] =	ssyncset.done $0x0  }
0xae: {  	s25 =	simm.s32 $0x1B8E;
	s24 =	sld [smem:$0x3FFE];
	[sflag:s23] =	ssyncadd.s32 $0xFFFFFFFF  }
0xaf: {  	s26 =	simm.s32 $execute0_lowered;
	[smem:$0x3FD2] =	sst s25  }
0xb0: {  	s10 =	sshll.u32 s26, $0x1;
	_ =	strace $0x80000046;
	[dreg:$0x1] =	wrdreg $0xFFFFFFFF  }
0xb1: {  	s28 =	simm.s32 $_size_execute0_lowered;
	s8 =	sadd.s32 s8, s10;
	[dreg:$0x0] =	wrdreg $0x0  }
0xb2: {  	s10 =	sshll.u32 s28, $0x1;
	[dreg:$0x2] =	wrdreg s8  }
0xb3: {  	[dreg:$0x3] =	wrdreg s10  }
0xb4: {  	[dreg:$0x4] =	wrdreg $0xC0  }
0xb5: {  	_ =	task [dreg:s12], $0x5FFFF  }
0xb6: {  	[dreg:$0x1] =	wrdreg $0xFFFFFFFF  }
0xb7: {  	[dreg:$0x0] =	wrdreg $0x60  }
0xb8: {  	[dreg:$0x2] =	wrdreg s2  }
0xb9: {  	[dreg:$0x3] =	wrdreg s15  }
0xba: {  	[dreg:$0x4] =	wrdreg s5  }
0xbb: {  	[dreg:$0x5] =	wrdreg s6  }
0xbc: {  	[dreg:$0x6] =	wrdreg s7  }
0xbd: {  	[dreg:$0x7] =	wrdreg s24  }
0xbe: {  	[dreg:$0x8] =	wrdreg s16  }
0xbf: {  	[dreg:$0x9] =	wrdreg $0x9  }
0xc0: {  	_ =	task.clear_ibuf [dreg:s12], $0xAFFFF;
	_ =	strace $0x90000046  }
0xc1: {  	s29 =	simm.s32 $0x9;
	_ =	strace $0x80000048  }
0xc2: {  	_ =	swait.ge [sflag:s29], $0x1  }
0xc3: {  	[sflag:s29] =	ssyncadd.s32 $0xFFFFFFFF  }
0xc4: {  	_ =	strace $0x90000048  }
0xc5: {  	_ =	sfence  }
0xc6: {  	s30 =	sld [smem:$0x0];
	_ =	sdelay $0x2  }
0xc7: {  	s31 =	sshll.u32 s1, $0xD;
	s1 =	sshrl.u32 s1, $0x2  }
0xc8: {  	s3 =	sand.u32 $0x4000, s31;
	s1 =	sadd.s32 s1, s30  }
0xc9: {  	s0 =	sor.u32 s3, s0;
	s1 =	sshll.u32 s1, $0x11  }
0xca: {  	s0 =	sor.u32 s1, s0  }
0xcb: {  	s0 =	sadd.s32 $0x8F2B, s0  }
0xcc: {  	[sflag:s0] =	ssyncadd.remote.s32 $0x1  }
0xcd: {  	_ =	sfence.sel $0xFFFF  }
0xce: {  	[dreg:$0x0] =	wrdreg $0xFFFFFFFF;
	(pc) =	sbr.abs _section_cstart, $3  }
0xcf: {  	[dreg:$0x1] =	wrdreg $0xFFFFFFFF  }
0xd0: {  	_ =	task.clear_ibuf [dreg:s12], $0x2FFFF;
	_ =	strace $0x9FFFFFFF  }
0xd1: {  	(tm) =	ssettm $0x7FFFFFFF  }
tec
execute0_lowered:
.L_overlay_start_1:
0x0: {  	(tag) =	ssettag $0x1  }
0x1: {  	s7 =	rddreg [dreg:$0x0]  }
0x2: {  	s8 =	rddreg [dreg:$0x1]  }
0x3: {  	s9 =	rddreg [dreg:$0x2]  }
0x4: {  	s1 =	rddreg [dreg:$0x3]  }
0x5: {  	s2 =	rddreg [dreg:$0x4]  }
0x6: {  	s6 =	rddreg [dreg:$0x5];
	s3 =	srdreg.scid  }
0x7: {  	s0 =	stileid.u32;
	s10 =	rddreg [dreg:$0x6]  }
0x8: {  	s4 =	simm.s32 $0x0;
	s13 =	simm.s32 $0xD80;
	s14 =	simm.s32 $0x1B00  }
0x9: {  	s15 =	simm.s32 $0xD00;
	s16 =	simm.s32 $0x12880;
	s17 =	simm.s32 $0x100  }
0xa: {  	s18 =	simm.s32 $0x1;
	s5 =	sand.u32 $0x1, s3;
	s11 =	sshll.u32 s0, $0x1  }
0xb: {  	s19 =	simm.s32 $0xA880;
	s20 =	simm.s32 $0x2;
	s11 =	sor.u32 s5, s11  }
0xc: {  	s21 =	simm.s32 $0x0;
	s12 =	ssub.s32 $0x2, s5;
	s5 =	smul.u32 $0xD00, s11  }
0xd: {  	[smem:$0x7FF] =	sst s4;
	s6 =	sadd.s32 $0x800, s6;
	s30 =	sshrl.u32 s12, $0x1  }
0xe: {  	_ =	strace $0x80000047;
	s11 =	ssub.s32 s12, s30;
	s31 =	sshrl.u32 s5, $0x3  }
0xf: {  	s12 =	simm.s32 $0x3;
	s11 =	smax.u32 s11, $0x1;
	s7 =	sadd.s32 s7, s31  }
0x10: {  	s8 =	sadd.s32 s8, s31;
	s9 =	sadd.s32 s9, s31;
	s10 =	sadd.s32 s10, s31  }
.LBB2_1:
0x11: {  	[tilespmem:s4], [sflag:$0x3] =	stream.linear.gather [hbm4b:s7+s4], $0xD00, $0x38;
	[tilespmem:$0x13580] =	vst v63  }
0x12: {  	_ =	swait.ge [sflag:s12], $0xD00  }
0x13: {  	[sflag:s12] =	ssyncset.done $0x0  }
0x14: {  	[sflag:s12] =	ssyncadd.s32 $0xFFFFF300  }
0x15: {  	[tilespmem:s13], [sflag:$0x3] =	stream.linear.gather [hbm4b:s8+s4], $0xD00, $0x38;
	[tilespmem:$0x13580] =	vst v63  }
0x16: {  	_ =	swait.ge [sflag:s12], $0xD00  }
0x17: {  	[sflag:s12] =	ssyncset.done $0x0  }
0x18: {  	[sflag:s12] =	ssyncadd.s32 $0xFFFFF300  }
0x19: {  	[tilespmem:s14], [sflag:$0x3] =	stream.linear.gather [hbm4b:s9+s4], $0xD00, $0x38;
	[tilespmem:$0x13580] =	vst v63  }
0x1a: {  	_ =	swait.ge [sflag:s12], $0xD00  }
0x1b: {  	[sflag:s12] =	ssyncset.done $0x0  }
0x1c: {  	s22 =	simm.s32 $0x1B01;
	s23 =	simm.s32 $0x0;
	[sflag:s12] =	ssyncadd.s32 $0xFFFFF300  }
0x1d: {  	[tilespmem:s16], [sflag:$0x2] =	stream.indirect.gather [hbm4b:s2+s15], $0x1, s13, s15, $0xb8;
	[tilespmem:$0x13580] =	vst v63  }
.LBB2_2:
0x1e: {  	s24 =	sshll.u32 s23, $0x8;
	s25 =	simm.s32 $0x2880  }
0x1f: {  	[tilespmem:s25], [sflag:$0x1] =	stream.indirect.gather [hbm4b:s1+s17], $0x80, s24, s17, $0xb8;
	[tilespmem:$0x13580] =	vst v63  }
0x20: {  	s26 =	sadd.s32 $0x1B00, s24  }
0x21: {  	_ =	swait.ge [sflag:s18], $0x8000;
	[dreg:$0x8] =	wrdreg s26;
	s26 =	simm.s32 $0x0  }
0x22: {  	s28 =	rddreg [dreg:$0x8];
	s29 =	sand.u32 $0x80, s26  }
0x23: {  	[sflag:s18] =	ssyncset.done $0x0;
	s30 =	sand.u32 $0x7E, s26;
	s28 =	sadd.s32 s29, s28  }
0x24: {  	[sflag:s18] =	ssyncadd.s32 $0xFFFF8000;
	s28 =	sadd.s32 s30, s28  }
0x25: {  	v0 =	vld [tilespmem:s28+$0x0];
	_ =	sdelay $0x4  }
0x26: {  	(v2sf) =	vpush v0, $0x0;
	_ =	sdelay $0xe  }
0x27: {  	s28 =	spop (v2sf)  }
0x28: {  	s29 =	sand.u32 $0x7F, s28;
	s0 =	sshll.u32 s28, $0x2  }
0x29: {  	s30 =	sand.u32 $0xFFFFFE00, s0;
	s29 =	sshll.u32 s29, $0x2  }
0x2a: {  	s29 =	sor.u32 s29, s30  }
0x2b: {  	s29 =	sshra.s32 s29, $0x2  }
0x2c: {  	s29 =	sadd.s32 $0x2880, s29  }
0x2d: {  	s28 =	sadd.s32 $0x10, s28;
	v0 =	vld [tilespmem:s29+$0x0]  }
0x2e: {  	s29 =	sand.u32 $0x7F, s28;
	s28 =	sshll.u32 s28, $0x2  }
0x2f: {  	s28 =	sand.u32 $0xFFFFFE00, s28;
	s29 =	sshll.u32 s29, $0x2  }
0x30: {  	s29 =	sor.u32 s29, s28  }
0x31: {  	s28 =	simm.s32 $0xA910;
	s29 =	sshra.s32 s29, $0x2  }
0x32: {  	s29 =	sadd.s32 $0x2880, s29;
	[tilespmem:s28+$0xFFFFFF70] =	vst v0  }
0x33: {  	v0 =	vld [tilespmem:s29+$0x0];
	_ =	sdelay $0x4  }
0x34: {  	[tilespmem:s28+$0xFFFFFF80] =	vst v0  }
0x35: {  	v0 =	vld [tilespmem:s22+$0x0];
	_ =	sdelay $0x4  }
0x36: {  	(v2sf) =	vpush v0, $0x0;
	_ =	sdelay $0xe  }
0x37: {  	s29 =	spop (v2sf)  }
0x38: {  	s3 =	sand.u32 $0x7F, s29;
	s31 =	sshll.u32 s29, $0x2  }
0x39: {  	s31 =	sand.u32 $0xFFFFFE00, s31;
	s30 =	sshll.u32 s3, $0x2  }
0x3a: {  	s30 =	sor.u32 s30, s31  }
0x3b: {  	s30 =	sshra.s32 s30, $0x2  }
0x3c: {  	s30 =	sadd.s32 $0x2880, s30  }
0x3d: {  	s29 =	sadd.s32 $0x10, s29;
	v0 =	vld [tilespmem:s30+$0x80]  }
0x3e: {  	s31 =	sand.u32 $0x7F, s29;
	s29 =	sshll.u32 s29, $0x2  }
0x3f: {  	s29 =	sand.u32 $0xFFFFFE00, s29;
	s30 =	sshll.u32 s31, $0x2  }
0x40: {  	s29 =	sor.u32 s30, s29  }
0x41: {  	s29 =	sshra.s32 s29, $0x2  }
0x42: {  	s29 =	sadd.s32 $0x2880, s29;
	[tilespmem:s28+$0xFFFFFFF0] =	vst v0  }
0x43: {  	v0 =	vld [tilespmem:s29+$0x80];
	s29 =	smov.u32 s22  }
.LBB2_3:
0x44: {  	_ = 	snop  }
0x45: {  	s26 =	sadd.s32 $0x2, s26  }
0x46: {  	s30 =	rddreg [dreg:$0x8];
	s31 =	sand.u32 $0x80, s26  }
0x47: {  	s3 =	sand.u32 $0x7E, s26;
	s30 =	sadd.s32 s31, s30  }
0x48: {  	s3 =	sadd.s32 s3, s30;
	[tilespmem:s28+$0x0] =	vst v0  }
0x49: {  	v0 =	vld [tilespmem:s3+$0x0];
	_ =	sdelay $0x4  }
0x4a: {  	(v2sf) =	vpush v0, $0x0;
	_ =	sdelay $0xe  }
0x4b: {  	s3 =	spop (v2sf)  }
0x4c: {  	s30 =	sand.u32 $0x7F, s3;
	s0 =	sshll.u32 s3, $0x2  }
0x4d: {  	s31 =	sand.u32 $0xFFFFFE00, s0;
	s30 =	sshll.u32 s30, $0x2  }
0x4e: {  	s30 =	sor.u32 s30, s31  }
0x4f: {  	s25 =	sadd.s32 $0x100, s25;
	s30 =	sshra.s32 s30, $0x2  }
0x50: {  	s30 =	sadd.s32 s30, s25  }
0x51: {  	s3 =	sadd.s32 $0x10, s3;
	v0 =	vld [tilespmem:s30+$0x0]  }
0x52: {  	s0 =	sand.u32 $0x7F, s3;
	s3 =	sshll.u32 s3, $0x2  }
0x53: {  	s3 =	sand.u32 $0xFFFFFE00, s3;
	s0 =	sshll.u32 s0, $0x2  }
0x54: {  	s0 =	sor.u32 s0, s3  }
0x55: {  	s28 =	sadd.s32 $0x100, s28;
	s0 =	sshra.s32 s0, $0x2  }
0x56: {  	s0 =	sadd.s32 s0, s25;
	[tilespmem:s28+$0xFFFFFF70] =	vst v0  }
0x57: {  	v0 =	vld [tilespmem:s0+$0x0];
	_ =	sdelay $0x4  }
0x58: {  	s29 =	sadd.s32 $0x2, s29;
	[tilespmem:s28+$0xFFFFFF80] =	vst v0  }
0x59: {  	v0 =	vld [tilespmem:s29+$0x0];
	_ =	sdelay $0x4  }
0x5a: {  	(v2sf) =	vpush v0, $0x0;
	_ =	sdelay $0xe  }
0x5b: {  	s0 =	spop (v2sf)  }
0x5c: {  	s3 =	sand.u32 $0x7F, s0;
	s31 =	sshll.u32 s0, $0x2  }
0x5d: {  	s30 =	sand.u32 $0xFFFFFE00, s31;
	s3 =	sshll.u32 s3, $0x2  }
0x5e: {  	s3 =	sor.u32 s3, s30  }
0x5f: {  	s3 =	sshra.s32 s3, $0x2  }
0x60: {  	s3 =	sadd.s32 s3, s25  }
0x61: {  	s0 =	sadd.s32 $0x10, s0;
	v0 =	vld [tilespmem:s3+$0x80]  }
0x62: {  	p0 =	slt.u32 s26, $0xFE;
	s31 =	sand.u32 $0x7F, s0;
	s0 =	sshll.u32 s0, $0x2  }
.Ltmp0:
0x63: {  	s0 =	sand.u32 $0xFFFFFE00, s0;
	s3 =	sshll.u32 s31, $0x2;
	(pc) =	sbr.rel @p0 .LBB2_3-.Ltmp0, $4  }
0x64: {  	s0 =	sor.u32 s3, s0  }
0x65: {  	s0 =	sshra.s32 s0, $0x2  }
0x66: {  	s0 =	sadd.s32 s0, s25;
	[tilespmem:s28+$0xFFFFFFF0] =	vst v0  }
0x67: {  	v0 =	vld [tilespmem:s0+$0x80]  }
0x68: {  	_ =	sdelay $0x1  }
0x69: {  	s0 =	sadd.s32 s5, s24;
	s23 =	sadd.s32 $0x1, s23  }
0x6a: {  	s0 =	sshll.u32 s0, $0x4;
	p0 =	sne.s32 s23, $0xD  }
.Ltmp1:
0x6b: {  	s0 =	sadd.s32 s6, s0;
	[tilespmem:s28+$0x0] =	vst v0;
	(pc) =	sbr.rel @p0 .LBB2_2-.Ltmp1, $4  }
0x6c: {  	[hbm4b:s0+s4] =	stream.linear.scatter [tilespmem:s19], [sflag:$0x3], $0x8000, $0x38;
	[tilespmem:$0x13580] =	vst v63  }
0x6d: {  	_ =	swait.ge [sflag:s12], $0x8000  }
0x6e: {  	[sflag:s12] =	ssyncset.done $0x0  }
0x6f: {  	s22 =	sadd.s32 $0x100, s22;
	[sflag:s12] =	ssyncadd.s32 $0xFFFF8000  }
0x70: {  	_ =	swait.ge [sflag:s20], $0xD00;
	s21 =	sadd.s32 $0x1, s21  }
0x71: {  	[sflag:s20] =	ssyncset.done $0x0;
	p0 =	sne.s32 s21, s11  }
.Ltmp2:
0x72: {  	[sflag:s20] =	ssyncadd.s32 $0xFFFFF300;
	(pc) =	sbr.rel @p0 .LBB2_1-.Ltmp2, $4  }
0x73: {  	[hbm4b:s10+s4] =	stream.linear.scatter [tilespmem:s16], [sflag:$0x3], $0xD00, $0x38;
	[tilespmem:$0x13580] =	vst v63  }
0x74: {  	_ =	swait.ge [sflag:s12], $0xD00  }
0x75: {  	[sflag:s12] =	ssyncset.done $0x0  }
0x76: {  	[sflag:s12] =	ssyncadd.s32 $0xFFFFF300  }
0x77: {  	_ =	sfence.sel $0x180000  }
0x78: {  	[bflag:$0x0] =	sbarrier.arrive $0xFFFF  }
0x79: {  	_ =	strace $0x90000047  }
0x7a: {  	s0 =	stileid.u32;
	[bflag:$0x2] =	sbarrier.arrive $0xFFFF  }
0x7b: {  	p0 =	sne.s32 s0, $0x0;
	s0 =	rddreg [dreg:$0x7]  }
0x7c: {  	s0 =	sadd.s32 @!p0 $0x100000, s0  }
0x7d: {  	[sflag:s0] =	ssyncadd.tile.s32 @!p0 $0x1;
	_ =	shalt  }
.Lfunc_end2:
_tile_overlayer_lowered:
.L_overlay_start_2:
0x7e: {  	(tag) =	ssettag $0x2  }
0x7f: {  	s0 =	rddreg [dreg:$0x0];
	s2 =	stileid.u32  }
0x80: {  	s1 =	rddreg [dreg:$0x1];
	p0 =	sne.s32 s2, $0x0  }
0x81: {  	s3 =	rddreg [dreg:$0x2];
	[bflag:$0x3] =	sbarrier.arrive $0xFFFF;
	s2 =	simm.s32 @!p0 $0x1C03  }
0x82: {  	[timem:s3], [sflag:s2] =	dma.local @!p0 [hbm:s0], s1  }
0x83: {  	s0 =	simm.s32 @!p0 $0x3  }
0x84: {  	_ =	swait.ge @!p0 [sflag:s0], s1  }
0x85: {  	s1 =	ssub.s32 @!p0 $0x0, s1;
	[sflag:s0] =	ssyncset.done @!p0 $0x0  }
0x86: {  	[sflag:s0] =	ssyncadd.s32 @!p0 s1  }
0x87: {  	[bflag:$0x3] =	sbarrier.arrive $0xFFFF  }
0x88: {  	_ =	shalt  }

</sc_bundles>
